<compile_context>
chip_gen: v7x
topology: tpu7x:2x2x1
jax: 0.10.2.dev20260603
libtpu: 0.0.44.dev20260713+nightly
codegen_flags: <defaults>
</compile_context>

<pallas_src>
import jax
import jax.numpy as jnp
from jax import lax
from jax.experimental import pallas as pl
from jax.experimental.pallas import tpu as pltpu
from jax.experimental.pallas import tpu_sc as plsc

VOCAB = 100000
DIM = 64
BATCH = 1024

_SC_INFO = plsc.get_sparse_core_info()
_NC = _SC_INFO.num_cores
_NS = _SC_INFO.num_subcores
_NW = _NC * _NS
_BPW = BATCH // _NW


_KPAD = 128
_PT = 8192


def _pretranspose_body(wt_ref, out_ref):
    r = lax.broadcasted_iota(jnp.int32, (DIM, _KPAD), 0)
    c = lax.broadcasted_iota(jnp.int32, (DIM, _KPAD), 1)
    eye_pad = jnp.where(r == c, jnp.float32(1.0), jnp.float32(0.0))
    out_ref[...] = lax.dot_general(
        wt_ref[...], eye_pad,
        (((0,), (0,)), ((), ())),
        preferred_element_type=jnp.float32,
    )


def _pretranspose(wt):
    return pl.pallas_call(
        _pretranspose_body,
        grid=(pl.cdiv(VOCAB, _PT),),
        in_specs=[pl.BlockSpec((DIM, _PT), lambda i: (0, i))],
        out_specs=pl.BlockSpec((_PT, _KPAD), lambda i: (i, 0)),
        out_shape=jax.ShapeDtypeStruct((VOCAB, _KPAD), jnp.float32),
    )(wt)


def _sc_gather_body(idx_hbm, table_hbm, x_hbm, idx_v, rows_v, sem):
    wid = lax.axis_index("s") * _NC + lax.axis_index("c")
    base = wid * _BPW
    pltpu.sync_copy(idx_hbm.at[pl.ds(base, _BPW)], idx_v)
    pltpu.async_copy(table_hbm.at[idx_v], rows_v, sem).wait()
    pltpu.sync_copy(rows_v, x_hbm.at[pl.ds(base, _BPW)])


def _sc_gather(input_ids, table_pad):
    mesh = plsc.VectorSubcoreMesh(core_axis_name="c", subcore_axis_name="s")
    fn = pl.kernel(
        _sc_gather_body,
        mesh=mesh,
        out_type=jax.ShapeDtypeStruct((BATCH, _KPAD), jnp.float32),
        scratch_types=[
            pltpu.VMEM((_BPW,), jnp.int32),
            pltpu.VMEM((_BPW, _KPAD), jnp.float32),
            pltpu.SemaphoreType.DMA,
        ],
    )
    return fn(input_ids, table_pad)


_VTM = 1024
_NFULL = VOCAB // _VTM
_TAIL = VOCAB - _NFULL * _VTM
_GRID = _NFULL + 1
_NBUF = 6


def _tc_matmul_body(wt_ref, xt_ref, out_hbm, state_ref, bufs, sems):
    i = pl.program_id(0)
    slot = lax.rem(i, _NBUF)

    @pl.when(i == 0)
    def _():
        state_ref[...] = jnp.sum(
            xt_ref[pl.ds(0, DIM), :], axis=0,
            keepdims=True) * jnp.float32(1.0 / DIM)

    @pl.when(i >= _NBUF)
    def _():
        j = i - _NBUF
        pltpu.make_async_copy(
            bufs.at[slot],
            out_hbm.at[pl.ds(j * _VTM, _VTM), :],
            sems.at[slot],
        ).wait()

    bufs[slot] = lax.dot_general(
        wt_ref[...], xt_ref[pl.ds(0, DIM), :],
        (((0,), (0,)), ((), ())),
        preferred_element_type=jnp.float32,
    )

    @pl.when(i < _NFULL)
    def _():
        pltpu.make_async_copy(
            bufs.at[slot],
            out_hbm.at[pl.ds(i * _VTM, _VTM), :],
            sems.at[slot],
        ).start()

    @pl.when(i == _NFULL)
    def _():
        pltpu.make_async_copy(
            bufs.at[slot, pl.ds(0, _TAIL), :],
            out_hbm.at[pl.ds(_NFULL * _VTM, _TAIL), :],
            sems.at[slot],
        ).start()
        for j in range(_NFULL - _NBUF + 1, _NFULL):
            s = j % _NBUF
            pltpu.make_async_copy(
                bufs.at[s],
                out_hbm.at[pl.ds(j * _VTM, _VTM), :],
                sems.at[s],
            ).wait()
        s = _NFULL % _NBUF
        pltpu.make_async_copy(
            bufs.at[s, pl.ds(0, _TAIL), :],
            out_hbm.at[pl.ds(_NFULL * _VTM, _TAIL), :],
            sems.at[s],
        ).wait()


def _tc_matmul(xt, wt):
    return pl.pallas_call(
        _tc_matmul_body,
        grid=(_GRID,),
        in_specs=[
            pl.BlockSpec((DIM, _VTM), lambda i: (0, i)),
            pl.BlockSpec((_KPAD, BATCH), lambda i: (0, 0)),
        ],
        out_specs=[
            pl.BlockSpec(memory_space=pl.ANY),
            pl.BlockSpec((1, BATCH), lambda i: (0, 0)),
        ],
        out_shape=[
            jax.ShapeDtypeStruct((VOCAB, BATCH), jnp.float32),
            jax.ShapeDtypeStruct((1, BATCH), jnp.float32),
        ],
        scratch_shapes=[
            pltpu.VMEM((_NBUF, _VTM, BATCH), jnp.float32),
            pltpu.SemaphoreType.DMA((_NBUF,)),
        ],
    )(wt, xt)


def kernel(input_ids, embed_table, lm_head_w):
    ids = input_ids.astype(jnp.int32)
    table_pad = _pretranspose(embed_table.T)
    xpad = _sc_gather(ids, table_pad)
    logits_t, state = _tc_matmul(xpad.T, lm_head_w.T)
    return (logits_t.T, state.reshape(BATCH))

# --- scband reference (transcript-rebuilt; emitter-appended) ---
"""Pipeline reference for scband-state-aware-tiny-lm-35974646071619 (READ-ONLY COPY).

The authoritative reference and input builder live on the scoring server;
editing this copy changes nothing except your own understanding.
"""

import jax, jax.numpy as jnp
import numpy as np

VOCAB = 100000
DIM = 64
BATCH = 1024


def setup_inputs(seed: int = 0) -> dict:
    key = jax.random.key(seed)
    k1, k2, k3 = jax.random.split(key, 3)
    input_ids = jax.random.randint(k1, (BATCH,), 0, VOCAB, dtype=jnp.int64 if jax.config.jax_enable_x64 else jnp.int32)
    # nn.Embedding weight: [vocab, dim], default init N(0, 1)
    embed_table = jax.random.normal(k2, (VOCAB, DIM), dtype=jnp.float32)
    # nn.Linear(dim, vocab, bias=False) weight: [vocab, dim]
    lm_head_w = jax.random.normal(k3, (VOCAB, DIM), dtype=jnp.float32) * 0.02
    return {"input_ids": input_ids, "embed_table": embed_table, "lm_head_w": lm_head_w}


def reference(input_ids, embed_table, lm_head_w):
    # x = self.embed(input_ids)  -> gather rows (SparseCore-style embedding lookup)
    x = jnp.take(embed_table, input_ids, axis=0)  # [B, dim]
    # logits = self.lm_head(x)  -> x @ W.T  (Linear, no bias)
    logits = x @ lm_head_w.T  # [B, vocab]
    # initial_states is None -> final_states = [x.mean(dim=1)]
    final_state = x.mean(axis=1)  # [B]
    return (logits, final_state)

if __name__ == "__main__":
    import jax
    _d = setup_inputs()
    print(jax.jit(kernel)(*tuple(_d.values())))

</pallas_src>

<mosaic_0001>
#map = affine_map<(d0, d1) -> (0)>
#map1 = affine_map<(d0, d1) -> (0, 0)>
module attributes {stable_mosaic.version = 14 : i64} {
  func.func @_sc_gather_body(%arg0: i32, %arg1: i32, %arg2: memref<1024xi32, #tpu.memory_space<hbm>>, %arg3: memref<100000x128xf32, #tpu.memory_space<hbm>>, %arg4: memref<1024x128xf32, #tpu.memory_space<hbm>>, %arg5: memref<32xi32, #tpu.memory_space<vmem>>, %arg6: memref<32x128xf32, #tpu.memory_space<vmem>>, %arg7: memref<!tpu.dma_semaphore, #tpu.memory_space<semaphore_mem>>) attributes {dimension_semantics = [#tpu.dimension_semantics<core_parallel>, #tpu.dimension_semantics<subcore_parallel>], iteration_bounds = array<i64: 2, 16>, scalar_prefetch = 0 : i64, scratch_operands = 3 : i64, tpu.core_type = #tpu.core_type<sc_vector_subcore>, window_params = [{transform_indices = #map}, {transform_indices = #map1}, {transform_indices = #map1}]} {
    %mul3A = arith.constant 2 : i32
    %mul3A_0 = arith.muli %arg1, %mul3A : i32
    %add3A = arith.addi %mul3A_0, %arg0 : i32
    %mul3A_1 = arith.constant 32 : i32
    %mul3A_2 = arith.muli %add3A, %mul3A_1 : i32
    "tpu.region"() ({
      %run_scoped3A = tpu.sem_alloc : memref<!tpu.dma_semaphore, #tpu.memory_space<semaphore_mem>>
      %dma_start3A_7 = tpu.memref_slice %arg2[%mul3A_2] : memref<1024xi32, #tpu.memory_space<hbm>> -> memref<32xi32, #tpu.memory_space<hbm>>
      %dma_start3A_8 = tpu.memref_slice %arg2[%mul3A_2] : memref<1024xi32, #tpu.memory_space<hbm>> -> memref<32xi32, #tpu.memory_space<hbm>>
      tpu.enqueue_dma source(%dma_start3A_8 : memref<32xi32, #tpu.memory_space<hbm>>) target(%arg5 : memref<32xi32, #tpu.memory_space<vmem>>) target_semaphore(%run_scoped3A : memref<!tpu.dma_semaphore, #tpu.memory_space<semaphore_mem>>)
      %dma_wait3A_9 = tpu.memref_slice %arg2[%mul3A_2] : memref<1024xi32, #tpu.memory_space<hbm>> -> memref<32xi32, #tpu.memory_space<hbm>>
      %dma_wait3A_10 = tpu.memref_slice %arg2[%mul3A_2] : memref<1024xi32, #tpu.memory_space<hbm>> -> memref<32xi32, #tpu.memory_space<hbm>>
      tpu.wait_dma2 semaphore(%run_scoped3A : memref<!tpu.dma_semaphore, #tpu.memory_space<semaphore_mem>>) src(%dma_wait3A_10 : memref<32xi32, #tpu.memory_space<hbm>>) dst(%arg5 : memref<32xi32, #tpu.memory_space<vmem>>)
      tpu.yield
    }) : () -> ()
    %dma_start3A = arith.constant 0 : i32
    %dma_start3A_3 = arith.constant 0 : i32
    %dma_start3A_4 = tpu.memref_slice %arg3[%dma_start3A, %dma_start3A_3] : memref<100000x128xf32, #tpu.memory_space<hbm>> -> memref<100000x128xf32, #tpu.memory_space<hbm>>
    tpu.enqueue_indirect_dma source(%dma_start3A_4 : memref<100000x128xf32, #tpu.memory_space<hbm>>) target(%arg6 : memref<32x128xf32, #tpu.memory_space<vmem>>) offsets(%arg5 : memref<32xi32, #tpu.memory_space<vmem>>) semaphore(%arg7 : memref<!tpu.dma_semaphore, #tpu.memory_space<semaphore_mem>>)
    %dma_wait3A = arith.constant 0 : i32
    %dma_wait3A_5 = arith.constant 0 : i32
    %dma_wait3A_6 = tpu.memref_slice %arg3[%dma_wait3A, %dma_wait3A_5] : memref<100000x128xf32, #tpu.memory_space<hbm>> -> memref<100000x128xf32, #tpu.memory_space<hbm>>
    tpu.wait_indirect_dma semaphore(%arg7 : memref<!tpu.dma_semaphore, #tpu.memory_space<semaphore_mem>>) src(%dma_wait3A_6 : memref<100000x128xf32, #tpu.memory_space<hbm>>) dst(%arg6 : memref<32x128xf32, #tpu.memory_space<vmem>>)
    "tpu.region"() ({
      %run_scoped3A = tpu.sem_alloc : memref<!tpu.dma_semaphore, #tpu.memory_space<semaphore_mem>>
      %dma_start3A_7 = arith.constant 0 : i32
      %dma_start3A_8 = tpu.memref_slice %arg4[%mul3A_2, %dma_start3A_7] : memref<1024x128xf32, #tpu.memory_space<hbm>> -> memref<32x128xf32, #tpu.memory_space<hbm>>
      %dma_start3A_9 = arith.constant 0 : i32
      %dma_start3A_10 = tpu.memref_slice %arg4[%mul3A_2, %dma_start3A_9] : memref<1024x128xf32, #tpu.memory_space<hbm>> -> memref<32x128xf32, #tpu.memory_space<hbm>>
      tpu.enqueue_dma source(%arg6 : memref<32x128xf32, #tpu.memory_space<vmem>>) target(%dma_start3A_10 : memref<32x128xf32, #tpu.memory_space<hbm>>) target_semaphore(%run_scoped3A : memref<!tpu.dma_semaphore, #tpu.memory_space<semaphore_mem>>)
      %dma_wait3A_11 = arith.constant 0 : i32
      %dma_wait3A_12 = tpu.memref_slice %arg4[%mul3A_2, %dma_wait3A_11] : memref<1024x128xf32, #tpu.memory_space<hbm>> -> memref<32x128xf32, #tpu.memory_space<hbm>>
      %dma_wait3A_13 = arith.constant 0 : i32
      %dma_wait3A_14 = tpu.memref_slice %arg4[%mul3A_2, %dma_wait3A_13] : memref<1024x128xf32, #tpu.memory_space<hbm>> -> memref<32x128xf32, #tpu.memory_space<hbm>>
      tpu.wait_dma2 semaphore(%run_scoped3A : memref<!tpu.dma_semaphore, #tpu.memory_space<semaphore_mem>>) src(%arg6 : memref<32x128xf32, #tpu.memory_space<vmem>>) dst(%dma_wait3A_14 : memref<32x128xf32, #tpu.memory_space<hbm>>)
      tpu.yield
    }) : () -> ()
    return
  }
}

module attributes {stable_mosaic.version = 14 : i64} {
  func.func @_pretranspose_body(%arg0: i32, %arg1: memref<64x8192xf32, #tpu.memory_space<vmem>>, %arg2: memref<8192x128xf32, #tpu.memory_space<vmem>>) attributes {dimension_semantics = [#tpu.dimension_semantics<arbitrary>], iteration_bounds = array<i64: 13>, scalar_prefetch = 0 : i64, scratch_operands = 0 : i64, tpu.core_type = #tpu.core_type<tc>, window_params = [{transform_indices = @transform_0, window_bounds = array<i64: 64, 8192>}, {transform_indices = @transform_1, window_bounds = array<i64: 8192, 128>}]} {
    %iota3A = tpu.iota {dimensions = array<i32: 0>} : vector<64x128xi32>
    %iota3A_0 = tpu.iota {dimensions = array<i32: 1>} : vector<64x128xi32>
    %eq3A = arith.cmpi eq, %iota3A, %iota3A_0 : vector<64x128xi32>
    %jit3A = arith.constant 1.000000e+00 : f32
    %jit3A_1 = arith.constant 0.000000e+00 : f32
    %broadcast_in_dim3A = vector.broadcast %jit3A : f32 to vector<64x128xf32>
    %broadcast_in_dim3A_2 = vector.broadcast %jit3A_1 : f32 to vector<64x128xf32>
    %select_n3A = arith.select %eq3A, %broadcast_in_dim3A, %broadcast_in_dim3A_2 : vector<64x128xi1>, vector<64x128xf32>
    %get3A = arith.constant 0 : index
    %get3A_3 = arith.constant 0 : index
    %get3A_4 = vector.load %arg1[%get3A, %get3A_3] : memref<64x8192xf32, #tpu.memory_space<vmem>>, vector<64x8192xf32>
    %dot_general3A = arith.constant dense<0.000000e+00> : vector<8192x128xf32>
    %dot_general3A_5 = tpu.matmul %get3A_4, %select_n3A, %dot_general3A {dimension_numbers = #tpu.dot_dimension_numbers<[0], [0], [1], [1], [0, 1, 1, 1], [], []>, transpose_lhs_hint = false} : vector<64x8192xf32>, vector<64x128xf32>, vector<8192x128xf32> -> vector<8192x128xf32>
    %swap3A = arith.constant 0 : index
    %swap3A_6 = arith.constant 0 : index
    %swap3A_7 = vector.load %arg2[%swap3A, %swap3A_6] : memref<8192x128xf32, #tpu.memory_space<vmem>>, vector<8192x128xf32>
    tpu.vector_store %arg2[%swap3A, %swap3A_6], %dot_general3A_5 {strides = array<i32>} : memref<8192x128xf32, #tpu.memory_space<vmem>>, vector<8192x128xf32>,
    return
  }
  func.func @transform_0(%arg0: i32) -> (i32, i32) {
    %c0_i32 = arith.constant 0 : i32
    %c0_i32_0 = arith.constant 0 : i32
    return %c0_i32, %arg0 : i32, i32
  }
  func.func @transform_1(%arg0: i32) -> (i32, i32) {
    %c0_i32 = arith.constant 0 : i32
    %c0_i32_0 = arith.constant 0 : i32
    return %arg0, %c0_i32 : i32, i32
  }
}

module attributes {stable_mosaic.version = 14 : i64} {
  func.func @_tc_matmul_body(%arg0: i32, %arg1: memref<64x1024xf32, #tpu.memory_space<vmem>>, %arg2: memref<128x1024xf32, #tpu.memory_space<vmem>>, %arg3: memref<100000x1024xf32, #tpu.memory_space<any>>, %arg4: memref<1x1024xf32, #tpu.memory_space<vmem>>, %arg5: memref<6x1024x1024xf32, #tpu.memory_space<vmem>>, %arg6: memref<6x!tpu.dma_semaphore, #tpu.memory_space<semaphore_mem>>) attributes {dimension_semantics = [#tpu.dimension_semantics<arbitrary>], iteration_bounds = array<i64: 98>, scalar_prefetch = 0 : i64, scratch_operands = 2 : i64, tpu.core_type = #tpu.core_type<tc>, window_params = [{transform_indices = @transform_0, window_bounds = array<i64: 64, 1024>}, {pipeline_mode = #tpu.pipeline_mode<synchronous>, transform_indices = @transform_1, window_bounds = array<i64: 128, 1024>}, {}, {pipeline_mode = #tpu.pipeline_mode<synchronous>, transform_indices = @transform_3, window_bounds = array<i64: 1, 1024>}]} {
    %rem3A = arith.constant 6 : i32
    %rem3A_0 = arith.remsi %arg0, %rem3A : i32
    %eq3A = arith.constant 0 : i32
    %eq3A_1 = arith.cmpi eq, %arg0, %eq3A : i32
    %convert_element_type3A = arith.extui %eq3A_1 : i1 to i32
    %cond3A = arith.constant 0 : i32
    %cond3A_2 = arith.cmpi ne, %convert_element_type3A, %cond3A : i32
    scf.if %cond3A_2 {
      %get3A_27 = arith.constant 0 : index
      %get3A_28 = arith.constant 0 : index
      %get3A_29 = vector.load %arg2[%get3A_27, %get3A_28] : memref<128x1024xf32, #tpu.memory_space<vmem>>, vector<64x1024xf32>
      %reduce_sum3A = arith.constant dense<0.000000e+00> : vector<1024xf32>
      %reduce_sum3A_30 = vector.multi_reduction <add>, %get3A_29, %reduce_sum3A [0] : vector<64x1024xf32> to vector<1024xf32>
      %broadcast_in_dim3A = vector.shape_cast %reduce_sum3A_30 : vector<1024xf32> to vector<1x1024xf32>
      %mul3A = arith.constant 1.562500e-02 : f32
      %mul3A_31 = vector.broadcast %mul3A : f32 to vector<1x1024xf32>
      %mul3A_32 = arith.mulf %broadcast_in_dim3A, %mul3A_31 : vector<1x1024xf32>
      %swap3A_33 = arith.constant 0 : index
      %swap3A_34 = arith.constant 0 : index
      %swap3A_35 = vector.load %arg4[%swap3A_33, %swap3A_34] : memref<1x1024xf32, #tpu.memory_space<vmem>>, vector<1x1024xf32>
      tpu.vector_store %arg4[%swap3A_33, %swap3A_34], %mul3A_32 {strides = array<i32>} : memref<1x1024xf32, #tpu.memory_space<vmem>>, vector<1x1024xf32>,
    } else {
    }
    %ge3A = arith.constant 6 : i32
    %ge3A_3 = arith.cmpi sge, %arg0, %ge3A : i32
    %convert_element_type3A_4 = arith.extui %ge3A_3 : i1 to i32
    %cond3A_5 = arith.constant 0 : i32
    %cond3A_6 = arith.cmpi ne, %convert_element_type3A_4, %cond3A_5 : i32
    scf.if %cond3A_6 {
      %sub3A = arith.constant 6 : i32
      %sub3A_27 = arith.subi %arg0, %sub3A : i32
      %mul3A = arith.constant 1024 : i32
      %mul3A_28 = arith.muli %sub3A_27, %mul3A : i32
      %dma_wait3A = tpu.memref_slice %arg6[%rem3A_0] : memref<6x!tpu.dma_semaphore, #tpu.memory_space<semaphore_mem>> -> memref<1x!tpu.dma_semaphore, #tpu.memory_space<semaphore_mem>>
      %dma_wait3A_29 = tpu.memref_squeeze %dma_wait3A : memref<1x!tpu.dma_semaphore, #tpu.memory_space<semaphore_mem>> -> memref<!tpu.dma_semaphore, #tpu.memory_space<semaphore_mem>>
      %dma_wait3A_30 = arith.constant 0 : i32
      %dma_wait3A_31 = tpu.memref_slice %arg3[%mul3A_28, %dma_wait3A_30] : memref<100000x1024xf32, #tpu.memory_space<any>> -> memref<1024x1024xf32, #tpu.memory_space<any>>
      %dma_wait3A_32 = arith.constant 0 : i32
      %dma_wait3A_33 = arith.constant 0 : i32
      %dma_wait3A_34 = tpu.memref_slice %arg5[%rem3A_0, %dma_wait3A_32, %dma_wait3A_33] : memref<6x1024x1024xf32, #tpu.memory_space<vmem>> -> memref<1x1024x1024xf32, #tpu.memory_space<vmem>>
      %dma_wait3A_35 = tpu.memref_squeeze %dma_wait3A_34 : memref<1x1024x1024xf32, #tpu.memory_space<vmem>> -> memref<1024x1024xf32, #tpu.memory_space<vmem>>
      tpu.wait_dma2 semaphore(%dma_wait3A_29 : memref<!tpu.dma_semaphore, #tpu.memory_space<semaphore_mem>>) src(%dma_wait3A_35 : memref<1024x1024xf32, #tpu.memory_space<vmem>>) dst(%dma_wait3A_31 : memref<1024x1024xf32, #tpu.memory_space<any>>)
    } else {
    }
    %get3A = arith.constant 0 : index
    %get3A_7 = arith.constant 0 : index
    %get3A_8 = vector.load %arg1[%get3A, %get3A_7] : memref<64x1024xf32, #tpu.memory_space<vmem>>, vector<64x1024xf32>
    %get3A_9 = arith.constant 0 : index
    %get3A_10 = arith.constant 0 : index
    %get3A_11 = vector.load %arg2[%get3A_9, %get3A_10] : memref<128x1024xf32, #tpu.memory_space<vmem>>, vector<64x1024xf32>
    %dot_general3A = arith.constant dense<0.000000e+00> : vector<1024x1024xf32>
    %dot_general3A_12 = tpu.matmul %get3A_8, %get3A_11, %dot_general3A {dimension_numbers = #tpu.dot_dimension_numbers<[0], [0], [1], [1], [0, 1, 1, 1], [], []>, transpose_lhs_hint = false} : vector<64x1024xf32>, vector<64x1024xf32>, vector<1024x1024xf32> -> vector<1024x1024xf32>
    %swap3A = arith.index_cast %rem3A_0 : i32 to index
    %swap3A_13 = arith.constant 0 : index
    %swap3A_14 = arith.constant 0 : index
    %swap3A_15 = vector.load %arg5[%swap3A, %swap3A_13, %swap3A_14] : memref<6x1024x1024xf32, #tpu.memory_space<vmem>>, vector<1x1024x1024xf32>
    %swap3A_16 = vector.shape_cast %swap3A_15 : vector<1x1024x1024xf32> to vector<1024x1024xf32>
    %swap3A_17 = vector.shape_cast %dot_general3A_12 : vector<1024x1024xf32> to vector<1x1024x1024xf32>
    tpu.vector_store %arg5[%swap3A, %swap3A_13, %swap3A_14], %swap3A_17 {strides = array<i32>} : memref<6x1024x1024xf32, #tpu.memory_space<vmem>>, vector<1x1024x1024xf32>,
    %lt3A = arith.constant 97 : i32
    %lt3A_18 = arith.cmpi slt, %arg0, %lt3A : i32
    %convert_element_type3A_19 = arith.extui %lt3A_18 : i1 to i32
    %cond3A_20 = arith.constant 0 : i32
    %cond3A_21 = arith.cmpi ne, %convert_element_type3A_19, %cond3A_20 : i32
    scf.if %cond3A_21 {
      %mul3A = arith.constant 1024 : i32
      %mul3A_27 = arith.muli %arg0, %mul3A : i32
      %dma_start3A = tpu.memref_slice %arg6[%rem3A_0] : memref<6x!tpu.dma_semaphore, #tpu.memory_space<semaphore_mem>> -> memref<1x!tpu.dma_semaphore, #tpu.memory_space<semaphore_mem>>
      %dma_start3A_28 = tpu.memref_squeeze %dma_start3A : memref<1x!tpu.dma_semaphore, #tpu.memory_space<semaphore_mem>> -> memref<!tpu.dma_semaphore, #tpu.memory_space<semaphore_mem>>
      %dma_start3A_29 = arith.constant 0 : i32
      %dma_start3A_30 = tpu.memref_slice %arg3[%mul3A_27, %dma_start3A_29] : memref<100000x1024xf32, #tpu.memory_space<any>> -> memref<1024x1024xf32, #tpu.memory_space<any>>
      %dma_start3A_31 = arith.constant 0 : i32
      %dma_start3A_32 = arith.constant 0 : i32
      %dma_start3A_33 = tpu.memref_slice %arg5[%rem3A_0, %dma_start3A_31, %dma_start3A_32] : memref<6x1024x1024xf32, #tpu.memory_space<vmem>> -> memref<1x1024x1024xf32, #tpu.memory_space<vmem>>
      %dma_start3A_34 = tpu.memref_squeeze %dma_start3A_33 : memref<1x1024x1024xf32, #tpu.memory_space<vmem>> -> memref<1024x1024xf32, #tpu.memory_space<vmem>>
      tpu.enqueue_dma source(%dma_start3A_34 : memref<1024x1024xf32, #tpu.memory_space<vmem>>) target(%dma_start3A_30 : memref<1024x1024xf32, #tpu.memory_space<any>>) target_semaphore(%dma_start3A_28 : memref<!tpu.dma_semaphore, #tpu.memory_space<semaphore_mem>>)
    } else {
    }
    %eq3A_22 = arith.constant 97 : i32
    %eq3A_23 = arith.cmpi eq, %arg0, %eq3A_22 : i32
    %convert_element_type3A_24 = arith.extui %eq3A_23 : i1 to i32
    %cond3A_25 = arith.constant 0 : i32
    %cond3A_26 = arith.cmpi ne, %convert_element_type3A_24, %cond3A_25 : i32
    scf.if %cond3A_26 {
      %dma_start3A = tpu.memref_slice %arg6[%rem3A_0] : memref<6x!tpu.dma_semaphore, #tpu.memory_space<semaphore_mem>> -> memref<1x!tpu.dma_semaphore, #tpu.memory_space<semaphore_mem>>
      %dma_start3A_27 = tpu.memref_squeeze %dma_start3A : memref<1x!tpu.dma_semaphore, #tpu.memory_space<semaphore_mem>> -> memref<!tpu.dma_semaphore, #tpu.memory_space<semaphore_mem>>
      %dma_start3A_28 = arith.constant 99328 : i32
      %dma_start3A_29 = arith.constant 0 : i32
      %dma_start3A_30 = tpu.memref_slice %arg3[%dma_start3A_28, %dma_start3A_29] : memref<100000x1024xf32, #tpu.memory_space<any>> -> memref<672x1024xf32, #tpu.memory_space<any>>
      %dma_start3A_31 = arith.constant 0 : i32
      %dma_start3A_32 = arith.constant 0 : i32
      %dma_start3A_33 = tpu.memref_slice %arg5[%rem3A_0, %dma_start3A_31, %dma_start3A_32] : memref<6x1024x1024xf32, #tpu.memory_space<vmem>> -> memref<1x672x1024xf32, #tpu.memory_space<vmem>>
      %dma_start3A_34 = tpu.memref_squeeze %dma_start3A_33 : memref<1x672x1024xf32, #tpu.memory_space<vmem>> -> memref<672x1024xf32, #tpu.memory_space<vmem>>
      tpu.enqueue_dma source(%dma_start3A_34 : memref<672x1024xf32, #tpu.memory_space<vmem>>) target(%dma_start3A_30 : memref<672x1024xf32, #tpu.memory_space<any>>) target_semaphore(%dma_start3A_27 : memref<!tpu.dma_semaphore, #tpu.memory_space<semaphore_mem>>)
      %dma_wait3A = arith.constant 2 : i32
      %dma_wait3A_35 = arith.constant 2 : i32
      %dma_wait3A_36 = tpu.memref_slice %arg6[%dma_wait3A_35] : memref<6x!tpu.dma_semaphore, #tpu.memory_space<semaphore_mem>> -> memref<1x!tpu.dma_semaphore, #tpu.memory_space<semaphore_mem>>
      %dma_wait3A_37 = tpu.memref_squeeze %dma_wait3A_36 : memref<1x!tpu.dma_semaphore, #tpu.memory_space<semaphore_mem>> -> memref<!tpu.dma_semaphore, #tpu.memory_space<semaphore_mem>>
      %dma_wait3A_38 = arith.constant 94208 : i32
      %dma_wait3A_39 = arith.constant 0 : i32
      %dma_wait3A_40 = tpu.memref_slice %arg3[%dma_wait3A_38, %dma_wait3A_39] : memref<100000x1024xf32, #tpu.memory_space<any>> -> memref<1024x1024xf32, #tpu.memory_space<any>>
      %dma_wait3A_41 = arith.constant 0 : i32
      %dma_wait3A_42 = arith.constant 0 : i32
      %dma_wait3A_43 = tpu.memref_slice %arg5[%dma_wait3A, %dma_wait3A_41, %dma_wait3A_42] : memref<6x1024x1024xf32, #tpu.memory_space<vmem>> -> memref<1x1024x1024xf32, #tpu.memory_space<vmem>>
      %dma_wait3A_44 = tpu.memref_squeeze %dma_wait3A_43 : memref<1x1024x1024xf32, #tpu.memory_space<vmem>> -> memref<1024x1024xf32, #tpu.memory_space<vmem>>
      tpu.wait_dma2 semaphore(%dma_wait3A_37 : memref<!tpu.dma_semaphore, #tpu.memory_space<semaphore_mem>>) src(%dma_wait3A_44 : memref<1024x1024xf32, #tpu.memory_space<vmem>>) dst(%dma_wait3A_40 : memref<1024x1024xf32, #tpu.memory_space<any>>)
      %dma_wait3A_45 = arith.constant 3 : i32
      %dma_wait3A_46 = arith.constant 3 : i32
      %dma_wait3A_47 = tpu.memref_slice %arg6[%dma_wait3A_46] : memref<6x!tpu.dma_semaphore, #tpu.memory_space<semaphore_mem>> -> memref<1x!tpu.dma_semaphore, #tpu.memory_space<semaphore_mem>>
      %dma_wait3A_48 = tpu.memref_squeeze %dma_wait3A_47 : memref<1x!tpu.dma_semaphore, #tpu.memory_space<semaphore_mem>> -> memref<!tpu.dma_semaphore, #tpu.memory_space<semaphore_mem>>
      %dma_wait3A_49 = arith.constant 95232 : i32
      %dma_wait3A_50 = arith.constant 0 : i32
      %dma_wait3A_51 = tpu.memref_slice %arg3[%dma_wait3A_49, %dma_wait3A_50] : memref<100000x1024xf32, #tpu.memory_space<any>> -> memref<1024x1024xf32, #tpu.memory_space<any>>
      %dma_wait3A_52 = arith.constant 0 : i32
      %dma_wait3A_53 = arith.constant 0 : i32
      %dma_wait3A_54 = tpu.memref_slice %arg5[%dma_wait3A_45, %dma_wait3A_52, %dma_wait3A_53] : memref<6x1024x1024xf32, #tpu.memory_space<vmem>> -> memref<1x1024x1024xf32, #tpu.memory_space<vmem>>
      %dma_wait3A_55 = tpu.memref_squeeze %dma_wait3A_54 : memref<1x1024x1024xf32, #tpu.memory_space<vmem>> -> memref<1024x1024xf32, #tpu.memory_space<vmem>>
      tpu.wait_dma2 semaphore(%dma_wait3A_48 : memref<!tpu.dma_semaphore, #tpu.memory_space<semaphore_mem>>) src(%dma_wait3A_55 : memref<1024x1024xf32, #tpu.memory_space<vmem>>) dst(%dma_wait3A_51 : memref<1024x1024xf32, #tpu.memory_space<any>>)
      %dma_wait3A_56 = arith.constant 4 : i32
      %dma_wait3A_57 = arith.constant 4 : i32
      %dma_wait3A_58 = tpu.memref_slice %arg6[%dma_wait3A_57] : memref<6x!tpu.dma_semaphore, #tpu.memory_space<semaphore_mem>> -> memref<1x!tpu.dma_semaphore, #tpu.memory_space<semaphore_mem>>
      %dma_wait3A_59 = tpu.memref_squeeze %dma_wait3A_58 : memref<1x!tpu.dma_semaphore, #tpu.memory_space<semaphore_mem>> -> memref<!tpu.dma_semaphore, #tpu.memory_space<semaphore_mem>>
      %dma_wait3A_60 = arith.constant 96256 : i32
      %dma_wait3A_61 = arith.constant 0 : i32
      %dma_wait3A_62 = tpu.memref_slice %arg3[%dma_wait3A_60, %dma_wait3A_61] : memref<100000x1024xf32, #tpu.memory_space<any>> -> memref<1024x1024xf32, #tpu.memory_space<any>>
      %dma_wait3A_63 = arith.constant 0 : i32
      %dma_wait3A_64 = arith.constant 0 : i32
      %dma_wait3A_65 = tpu.memref_slice %arg5[%dma_wait3A_56, %dma_wait3A_63, %dma_wait3A_64] : memref<6x1024x1024xf32, #tpu.memory_space<vmem>> -> memref<1x1024x1024xf32, #tpu.memory_space<vmem>>
      %dma_wait3A_66 = tpu.memref_squeeze %dma_wait3A_65 : memref<1x1024x1024xf32, #tpu.memory_space<vmem>> -> memref<1024x1024xf32, #tpu.memory_space<vmem>>
      tpu.wait_dma2 semaphore(%dma_wait3A_59 : memref<!tpu.dma_semaphore, #tpu.memory_space<semaphore_mem>>) src(%dma_wait3A_66 : memref<1024x1024xf32, #tpu.memory_space<vmem>>) dst(%dma_wait3A_62 : memref<1024x1024xf32, #tpu.memory_space<any>>)
      %dma_wait3A_67 = arith.constant 5 : i32
      %dma_wait3A_68 = arith.constant 5 : i32
      %dma_wait3A_69 = tpu.memref_slice %arg6[%dma_wait3A_68] : memref<6x!tpu.dma_semaphore, #tpu.memory_space<semaphore_mem>> -> memref<1x!tpu.dma_semaphore, #tpu.memory_space<semaphore_mem>>
      %dma_wait3A_70 = tpu.memref_squeeze %dma_wait3A_69 : memref<1x!tpu.dma_semaphore, #tpu.memory_space<semaphore_mem>> -> memref<!tpu.dma_semaphore, #tpu.memory_space<semaphore_mem>>
      %dma_wait3A_71 = arith.constant 97280 : i32
      %dma_wait3A_72 = arith.constant 0 : i32
      %dma_wait3A_73 = tpu.memref_slice %arg3[%dma_wait3A_71, %dma_wait3A_72] : memref<100000x1024xf32, #tpu.memory_space<any>> -> memref<1024x1024xf32, #tpu.memory_space<any>>
      %dma_wait3A_74 = arith.constant 0 : i32
      %dma_wait3A_75 = arith.constant 0 : i32
      %dma_wait3A_76 = tpu.memref_slice %arg5[%dma_wait3A_67, %dma_wait3A_74, %dma_wait3A_75] : memref<6x1024x1024xf32, #tpu.memory_space<vmem>> -> memref<1x1024x1024xf32, #tpu.memory_space<vmem>>
      %dma_wait3A_77 = tpu.memref_squeeze %dma_wait3A_76 : memref<1x1024x1024xf32, #tpu.memory_space<vmem>> -> memref<1024x1024xf32, #tpu.memory_space<vmem>>
      tpu.wait_dma2 semaphore(%dma_wait3A_70 : memref<!tpu.dma_semaphore, #tpu.memory_space<semaphore_mem>>) src(%dma_wait3A_77 : memref<1024x1024xf32, #tpu.memory_space<vmem>>) dst(%dma_wait3A_73 : memref<1024x1024xf32, #tpu.memory_space<any>>)
      %dma_wait3A_78 = arith.constant 0 : i32
      %dma_wait3A_79 = arith.constant 0 : i32
      %dma_wait3A_80 = tpu.memref_slice %arg6[%dma_wait3A_79] : memref<6x!tpu.dma_semaphore, #tpu.memory_space<semaphore_mem>> -> memref<1x!tpu.dma_semaphore, #tpu.memory_space<semaphore_mem>>
      %dma_wait3A_81 = tpu.memref_squeeze %dma_wait3A_80 : memref<1x!tpu.dma_semaphore, #tpu.memory_space<semaphore_mem>> -> memref<!tpu.dma_semaphore, #tpu.memory_space<semaphore_mem>>
      %dma_wait3A_82 = arith.constant 98304 : i32
      %dma_wait3A_83 = arith.constant 0 : i32
      %dma_wait3A_84 = tpu.memref_slice %arg3[%dma_wait3A_82, %dma_wait3A_83] : memref<100000x1024xf32, #tpu.memory_space<any>> -> memref<1024x1024xf32, #tpu.memory_space<any>>
      %dma_wait3A_85 = arith.constant 0 : i32
      %dma_wait3A_86 = arith.constant 0 : i32
      %dma_wait3A_87 = tpu.memref_slice %arg5[%dma_wait3A_78, %dma_wait3A_85, %dma_wait3A_86] : memref<6x1024x1024xf32, #tpu.memory_space<vmem>> -> memref<1x1024x1024xf32, #tpu.memory_space<vmem>>
      %dma_wait3A_88 = tpu.memref_squeeze %dma_wait3A_87 : memref<1x1024x1024xf32, #tpu.memory_space<vmem>> -> memref<1024x1024xf32, #tpu.memory_space<vmem>>
      tpu.wait_dma2 semaphore(%dma_wait3A_81 : memref<!tpu.dma_semaphore, #tpu.memory_space<semaphore_mem>>) src(%dma_wait3A_88 : memref<1024x1024xf32, #tpu.memory_space<vmem>>) dst(%dma_wait3A_84 : memref<1024x1024xf32, #tpu.memory_space<any>>)
      %dma_wait3A_89 = arith.constant 1 : i32
      %dma_wait3A_90 = arith.constant 1 : i32
      %dma_wait3A_91 = tpu.memref_slice %arg6[%dma_wait3A_90] : memref<6x!tpu.dma_semaphore, #tpu.memory_space<semaphore_mem>> -> memref<1x!tpu.dma_semaphore, #tpu.memory_space<semaphore_mem>>
      %dma_wait3A_92 = tpu.memref_squeeze %dma_wait3A_91 : memref<1x!tpu.dma_semaphore, #tpu.memory_space<semaphore_mem>> -> memref<!tpu.dma_semaphore, #tpu.memory_space<semaphore_mem>>
      %dma_wait3A_93 = arith.constant 99328 : i32
      %dma_wait3A_94 = arith.constant 0 : i32
      %dma_wait3A_95 = tpu.memref_slice %arg3[%dma_wait3A_93, %dma_wait3A_94] : memref<100000x1024xf32, #tpu.memory_space<any>> -> memref<672x1024xf32, #tpu.memory_space<any>>
      %dma_wait3A_96 = arith.constant 0 : i32
      %dma_wait3A_97 = arith.constant 0 : i32
      %dma_wait3A_98 = tpu.memref_slice %arg5[%dma_wait3A_89, %dma_wait3A_96, %dma_wait3A_97] : memref<6x1024x1024xf32, #tpu.memory_space<vmem>> -> memref<1x672x1024xf32, #tpu.memory_space<vmem>>
      %dma_wait3A_99 = tpu.memref_squeeze %dma_wait3A_98 : memref<1x672x1024xf32, #tpu.memory_space<vmem>> -> memref<672x1024xf32, #tpu.memory_space<vmem>>
      tpu.wait_dma2 semaphore(%dma_wait3A_92 : memref<!tpu.dma_semaphore, #tpu.memory_space<semaphore_mem>>) src(%dma_wait3A_99 : memref<672x1024xf32, #tpu.memory_space<vmem>>) dst(%dma_wait3A_95 : memref<672x1024xf32, #tpu.memory_space<any>>)
    } else {
    }
    return
  }
  func.func @transform_0(%arg0: i32) -> (i32, i32) {
    %c0_i32 = arith.constant 0 : i32
    %c0_i32_0 = arith.constant 0 : i32
    return %c0_i32, %arg0 : i32, i32
  }
  func.func @transform_1(%arg0: i32) -> (i32, i32) {
    %c0_i32 = arith.constant 0 : i32
    %c0_i32_0 = arith.constant 0 : i32
    %c0_i32_1 = arith.constant 0 : i32
    return %c0_i32, %c0_i32_0 : i32, i32
  }
  func.func @transform_3(%arg0: i32) -> (i32, i32) {
    %c0_i32 = arith.constant 0 : i32
    %c0_i32_0 = arith.constant 0 : i32
    %c0_i32_1 = arith.constant 0 : i32
    return %c0_i32, %c0_i32_0 : i32, i32
  }
}

</mosaic_0001>

<sc_bundles>
// kernel: kernel.5.cloned.1.call-start
scs
__scs_entry_jumppad:
0x0: {  	(pc) =	sbr.rel $0x88, $3  }
0x1: {  	(tag) =	ssettag $0x0;
	lr =	simm.s32 $0x1  }
0x2: {  	[smem:$0x3F9E] =	sst lr;
	_ =	strace $0xD0000000  }
0x3: {  	_ = 	snop  }
0x4: {  	_ = 	snop  }
0x5: {  	_ = 	snop  }
0x6: {  	_ = 	snop  }
0x7: {  	_ = 	snop  }
__scs_overlays_trampoline_lowered:
0x8: {  	[smem:$0x3FAD] =	sst s0  }
0x9: {  	[smem:$0x3FAE] =	sst s1  }
0xa: {  	[smem:$0x3FAF] =	sst s2  }
0xb: {  	[smem:$0x3FB0] =	sst s3  }
0xc: {  	[smem:$0x3FB1] =	sst s4  }
0xd: {  	[smem:$0x3FB2] =	sst s5  }
0xe: {  	[smem:$0x3FB3] =	sst s6  }
0xf: {  	[smem:$0x3FB4] =	sst s7  }
0x10: {  	[smem:$0x3FB5] =	sst s8  }
0x11: {  	[smem:$0x3FB6] =	sst s9;
	s0 =	simm.s32 @!p0 $0x0  }
0x12: {  	s1 =	sld [smem:$0x3F9C];
	s0 =	simm.s32 @p0 $0x1  }
0x13: {  	[smem:$0x3FB7] =	sst s0;
	s0 =	simm.s32 @!p1 $0x0  }
0x14: {  	s2 =	sld [smem:$0x3F9B];
	s0 =	simm.s32 @p1 $0x1  }
0x15: {  	[smem:$0x3FB8] =	sst s0;
	s0 =	simm.s32 @!p2 $0x0  }
0x16: {  	s3 =	sld [smem:$0x3FDB];
	s0 =	simm.s32 @p2 $0x1  }
0x17: {  	s4 =	simm.s32 $0x1BF5;
	[smem:$0x3FBA] =	sst s0  }
0x18: {  	s0 =	sld [smem:$0x3F9D];
	_ =	swait.ge [sflag:s4], $0x0  }
0x19: {  	s7 =	sld [smem:$0x3F9E]  }
0x1a: {  	s8 =	sadd.s32 $0xFFFFE003, lr  }
0x1b: {  	s9 =	sadd.s32 $0xFFFFFEF7, lr;
	s5 =	simm.s32 $0xFFFFFFFF;
	p2 =	slt.u32 s8, $0xFFFFF086  }
0x1c: {  	p1 =	slt.u32 s9, $0xF7A;
	s5 =	simm.s32 @!p2 $0x0  }
0x1d: {  	s5 =	simm.s32 @p1 $0x1;
	p0 =	seq.s32 s7, s2  }
0x1e: {  	s7 =	smul.u32 @!p0 $0xF7A, s2;
	p2 =	seq.s32 @!p0 s5, $0x0  }
0x1f: {  	s9 =	smul.u32 $0xF7A, s1;
	s8 =	simm.s32 @!p0 $0x1BF5;
	p2 =	por !p2, p0  }
0x20: {  	[sflag:s8] =	ssyncset.s32 @!p0 $0xFFFFF086;
	s6 =	sadd.s32 @!p0 s3, s7;
	s7 =	simm.s32 @!p0 $0x108  }
0x21: {  	s3 =	sadd.s32 s3, s9;
	s6 =	sadd.s32 @!p0 $0x88, s6;
	s7 =	simm.s32 @p2 $0x1082  }
0x22: {  	[simem:s7], [sflag:s8] =	dma.local @!p0 [hbm:s6], $0xF7A  }
0x23: {  	s9 =	sor.u32 $0xD0000000, s2;
	s6 =	simm.s32 $0x108;
	_ =	swait.ge @!p0 [sflag:s8], $0x0  }
0x24: {  	s3 =	sadd.s32 $0x88, s3;
	s6 =	simm.s32 @!p1 $0x1082;
	[sflag:s4] =	ssyncset.s32 $0xFFFFF086  }
0x25: {  	[simem:s6], [sflag:s4] =	dma.local [hbm:s3], $0xF7A  }
0x26: {  	[smem:$0x3F9E] =	sst s1;
	(tag) =	ssettag s2;
	_ =	strace s9  }
0x27: {  	s1 =	sld [smem:$0x3FAE]  }
0x28: {  	s2 =	sld [smem:$0x3FAF]  }
0x29: {  	s4 =	sld [smem:$0x3FB1]  }
0x2a: {  	p0 =	seq.s32 s5, $0x0;
	s5 =	sld [smem:$0x3FB2]  }
0x2b: {  	s6 =	sld [smem:$0x3FB3]  }
0x2c: {  	s7 =	sld [smem:$0x3FB4]  }
0x2d: {  	s3 =	simm.s32 $0x108;
	s8 =	sld [smem:$0x3FB5]  }
0x2e: {  	s3 =	simm.s32 @!p0 $0x1082;
	s9 =	sld [smem:$0x3FB6]  }
0x2f: {  	lr =	sadd.s32 s0, s3;
	s0 =	sld [smem:$0x3FAD]  }
0x30: {  	s3 =	sld [smem:$0x3FB0]  }
0x31: {  	[smem:$0x3FB9] =	sst s10  }
0x32: {  	s10 =	sld [smem:$0x3FB7];
	_ =	sdelay $0x3  }
0x33: {  	p0 =	seq.s32 s10, $0x1;
	s10 =	sld [smem:$0x3FB9];
	_ =	sdelay $0x3  }
0x34: {  	[smem:$0x3FB9] =	sst s10  }
0x35: {  	s10 =	sld [smem:$0x3FB8];
	_ =	sdelay $0x3  }
0x36: {  	p1 =	seq.s32 s10, $0x1;
	s10 =	sld [smem:$0x3FB9];
	_ =	sdelay $0x3  }
0x37: {  	[smem:$0x3FB9] =	sst s10  }
0x38: {  	s10 =	sld [smem:$0x3FBA]  }
0x39: {  	_ = 	snop;
	(pc) =	sbr.ind lr, $3  }
0x3a: {  	_ = 	snop  }
0x3b: {  	_ = 	snop  }
0x3c: {  	p2 =	seq.s32 s10, $0x1;
	s10 =	sld [smem:$0x3FB9]  }
0x3d: {  	_ =	shalt  }
0x3e: {  	_ =	shalt  }
0x3f: {  	_ =	shalt  }
0x40: {  	_ =	shalt  }
0x41: {  	_ =	shalt  }
0x42: {  	_ =	shalt  }
0x43: {  	_ =	shalt  }
0x44: {  	_ =	shalt  }
0x45: {  	_ =	shalt  }
0x46: {  	_ =	shalt  }
0x47: {  	_ =	shalt  }
0x48: {  	_ =	shalt  }
0x49: {  	_ =	shalt  }
0x4a: {  	_ =	shalt  }
0x4b: {  	_ =	shalt  }
0x4c: {  	_ =	shalt  }
0x4d: {  	_ =	shalt  }
0x4e: {  	_ =	shalt  }
0x4f: {  	_ =	shalt  }
0x50: {  	_ =	shalt  }
0x51: {  	_ =	shalt  }
0x52: {  	_ =	shalt  }
0x53: {  	_ =	shalt  }
0x54: {  	_ =	shalt  }
0x55: {  	_ =	shalt  }
0x56: {  	_ =	shalt  }
0x57: {  	_ =	shalt  }
0x58: {  	_ =	shalt  }
0x59: {  	_ =	shalt  }
0x5a: {  	_ =	shalt  }
0x5b: {  	_ =	shalt  }
0x5c: {  	_ =	shalt  }
0x5d: {  	_ =	shalt  }
0x5e: {  	_ =	shalt  }
0x5f: {  	_ =	shalt  }
0x60: {  	_ =	shalt  }
0x61: {  	_ =	shalt  }
0x62: {  	_ =	shalt  }
0x63: {  	_ =	shalt  }
0x64: {  	_ =	shalt  }
0x65: {  	_ =	shalt  }
0x66: {  	_ =	shalt  }
0x67: {  	_ =	shalt  }
0x68: {  	_ =	shalt  }
0x69: {  	_ =	shalt  }
0x6a: {  	_ =	shalt  }
0x6b: {  	_ =	shalt  }
0x6c: {  	_ =	shalt  }
0x6d: {  	_ =	shalt  }
0x6e: {  	_ =	shalt  }
0x6f: {  	_ =	shalt  }
0x70: {  	_ =	shalt  }
0x71: {  	_ =	shalt  }
0x72: {  	_ =	shalt  }
0x73: {  	_ =	shalt  }
0x74: {  	_ =	shalt  }
0x75: {  	_ =	shalt  }
0x76: {  	_ =	shalt  }
0x77: {  	_ =	shalt  }
0x78: {  	_ =	shalt  }
0x79: {  	_ =	shalt  }
0x7a: {  	_ =	shalt  }
0x7b: {  	_ =	shalt  }
0x7c: {  	_ =	shalt  }
0x7d: {  	_ =	shalt  }
0x7e: {  	_ =	shalt  }
0x7f: {  	_ =	shalt  }
0x80: {  	_ =	shalt  }
0x81: {  	_ =	shalt  }
0x82: {  	_ =	shalt  }
0x83: {  	_ =	shalt  }
0x84: {  	_ =	shalt  }
0x85: {  	_ =	shalt  }
0x86: {  	_ =	shalt  }
0x87: {  	_ =	shalt  }
.Lfunc_end0:
.L_simem_size_0:
called_computation_lowered:
.L_overlay_start_0:
0x88: {  	s2 =	sld [smem:$0x3FD9]  }
0x89: {  	s3 =	sld [smem:$0x3FFE];
	_ =	sdelay $0x1  }
0x8a: {  	s1 =	srdreg.scid  }
0x8b: {  	s0 =	sand.u32 $0x1, s1  }
0x8c: {  	s14 =	sshll.u32 s0, $0xA;
	s2 =	sadd.s32 s3, s2  }
0x8d: {  	s2 =	sadd.s32 s2, s14  }
0x8e: {  	[smem:$0x3FC5] =	sst s2  }
0x8f: {  	_ = 	snop  }
0x90: {  	s2 =	sld [smem:$0x3FD0];
	_ =	sdelay $0x2  }
0x91: {  	s4 =	simm.s32 $0xA;
	s5 =	simm.s32 $0x10;
	s15 =	sld [smem:$0x3FC9]  }
0x92: {  	[smem:s5], [sflag:s4] =	dma.local [hbm:s2], $0x1  }
0x93: {  	_ =	swait.eq [sflag:s4], $0x1  }
0x94: {  	[sflag:s4] =	ssyncset.done $0x0  }
0x95: {  	[sflag:s4] =	ssyncadd.s32 $0xFFFFFFFF  }
0x96: {  	s16 =	sld [smem:$0x10];
	(tm) =	ssettm $0x1  }
0x97: {  	s17 =	sld [smem:$0x3FFB];
	_ =	sdelay $0x3  }
0x98: {  	_ =	strace s17  }
0x99: {  	s4 =	sld [smem:$0x3FFC];
	_ =	sdelay $0x3  }
0x9a: {  	_ =	strace s4  }
0x9b: {  	s4 =	sld [smem:$0x3FFD];
	_ =	sdelay $0x3  }
0x9c: {  	_ =	strace s4  }
0x9d: {  	_ =	strace $0x8FFFFFFF  }
0x9e: {  	s18 =	sld [smem:$0x3FDB];
	_ =	sdelay $0x1  }
0x9f: {  	s19 =	simm.s32 $_scs_section_size  }
0xa0: {  	s6 =	simm.s32 $_size__tile_overlayer_lowered;
	s7 =	simm.s32 $_tile_overlayer_lowered  }
0xa1: {  	s22 =	simm.s32 $0x1BFF;
	s21 =	sshll.u32 s7, $0x1;
	s4 =	sadd.s32 s19, s18  }
0xa2: {  	s8 =	simm.s32 $0x0;
	s20 =	sshll.u32 s6, $0x1;
	s6 =	sadd.s32 s21, s4  }
0xa3: {  	[timem:s8], [sflag:s22] =	dma.local [hbm:s6], s20  }
0xa4: {  	_ =	swait.ge [sflag:s22], s20  }
0xa5: {  	s5 =	ssub.s32 $0x0, s20;
	[sflag:s22] =	ssyncset.done $0x0  }
0xa6: {  	[sflag:s22] =	ssyncadd.s32 s5;
	_ =	sdelay $0x1  }
0xa7: {  	s23 =	simm.s32 $0x1B8B  }
0xa8: {  	_ =	swait.ge [sflag:s23], $0x1  }
0xa9: {  	[sflag:s23] =	ssyncset.done $0x0  }
0xaa: {  	s25 =	simm.s32 $0x1B8E;
	s24 =	sld [smem:$0x3FFE];
	[sflag:s23] =	ssyncadd.s32 $0xFFFFFFFF  }
0xab: {  	s26 =	simm.s32 $execute0_lowered;
	[smem:$0x3FD2] =	sst s25  }
0xac: {  	s6 =	sshll.u32 s26, $0x1;
	_ =	strace $0x80000046;
	[dreg:$0x1] =	wrdreg $0xFFFFFFFF  }
0xad: {  	s28 =	simm.s32 $_size_execute0_lowered;
	s4 =	sadd.s32 s4, s6;
	[dreg:$0x0] =	wrdreg $0x0  }
0xae: {  	s6 =	sshll.u32 s28, $0x1;
	[dreg:$0x2] =	wrdreg s4  }
0xaf: {  	[dreg:$0x3] =	wrdreg s6  }
0xb0: {  	[dreg:$0x4] =	wrdreg $0xC0  }
0xb1: {  	_ =	task [dreg:s8], $0x5FFFF  }
0xb2: {  	[dreg:$0x1] =	wrdreg $0xFFFFFFFF  }
0xb3: {  	[dreg:$0x0] =	wrdreg $0x60  }
0xb4: {  	[dreg:$0x2] =	wrdreg s15  }
0xb5: {  	[dreg:$0x3] =	wrdreg s16  }
0xb6: {  	[dreg:$0x4] =	wrdreg s24  }
0xb7: {  	[dreg:$0x5] =	wrdreg $0x9  }
0xb8: {  	_ =	task.clear_ibuf [dreg:s8], $0x6FFFF;
	_ =	strace $0x90000046  }
0xb9: {  	s29 =	simm.s32 $0x9;
	_ =	strace $0x80000048  }
0xba: {  	_ =	swait.ge [sflag:s29], $0x1  }
0xbb: {  	[sflag:s29] =	ssyncadd.s32 $0xFFFFFFFF  }
0xbc: {  	_ =	strace $0x90000048  }
0xbd: {  	_ =	sfence  }
0xbe: {  	s30 =	sld [smem:$0x0];
	_ =	sdelay $0x2  }
0xbf: {  	s31 =	sshll.u32 s1, $0xD;
	s1 =	sshrl.u32 s1, $0x2  }
0xc0: {  	s3 =	sand.u32 $0x4000, s31;
	s1 =	sadd.s32 s1, s30  }
0xc1: {  	s0 =	sor.u32 s3, s0;
	s1 =	sshll.u32 s1, $0x11  }
0xc2: {  	s0 =	sor.u32 s1, s0  }
0xc3: {  	s0 =	sadd.s32 $0x8F2B, s0  }
0xc4: {  	[sflag:s0] =	ssyncadd.remote.s32 $0x1  }
0xc5: {  	_ =	sfence.sel $0xFFFF  }
0xc6: {  	[dreg:$0x0] =	wrdreg $0xFFFFFFFF;
	(pc) =	sbr.abs _section_cstart, $3  }
0xc7: {  	[dreg:$0x1] =	wrdreg $0xFFFFFFFF  }
0xc8: {  	_ =	task.clear_ibuf [dreg:s8], $0x2FFFF;
	_ =	strace $0x9FFFFFFF  }
0xc9: {  	(tm) =	ssettm $0x7FFFFFFF  }
tec
execute0_lowered:
.L_overlay_start_1:
0x0: {  	(tag) =	ssettag $0x1  }
0x1: {  	s4 =	rddreg [dreg:$0x0];
	s1 =	srdreg.scid  }
0x2: {  	s2 =	rddreg [dreg:$0x1];
	s0 =	stileid.u32  }
0x3: {  	s9 =	rddreg [dreg:$0x2];
	s3 =	simm.s32 $0x0;
	s6 =	sand.u32 $0x1, s1  }
0x4: {  	s5 =	sshll.u32 s0, $0x6;
	s1 =	rddreg [dreg:$0x3];
	s7 =	sshll.u32 s6, $0x5  }
0x5: {  	s8 =	simm.s32 $0x1;
	[smem:$0x7FF] =	sst s3;
	s10 =	sor.u32 s7, s5  }
0x6: {  	_ =	strace $0x80000047;
	s11 =	ssub.s32 $0x2, s6;
	s5 =	sshrl.u32 s10, $0x3  }
0x7: {  	s6 =	simm.s32 $0x20;
	s5 =	sadd.s32 s4, s5;
	s4 =	simm.s32 $0x2  }
0x8: {  	[tilespmem:s3], [sflag:$0x2] =	stream.linear.gather [hbm4b:s5+s3], $0x20, $0x38;
	[tilespmem:$0x1080] =	vst v63  }
0x9: {  	s7 =	simm.s32 $0x80;
	s12 =	sshrl.u32 s11, $0x1;
	_ =	swait.ge [sflag:s4], $0x20  }
0xa: {  	s10 =	sshll.u32 s10, $0x4;
	s31 =	ssub.s32 s11, s12;
	[sflag:s4] =	ssyncset.done $0x0  }
0xb: {  	s9 =	sadd.s32 s10, s9;
	s10 =	smax.u32 s31, $0x1;
	[sflag:s4] =	ssyncadd.s32 $0xFFFFFFE0  }
0xc: {  	[tilespmem:s7], [sflag:$0x1] =	stream.indirect.gather [hbm4b:s2+s6], $0x80, s3, s6, $0xb8;
	[tilespmem:$0x1080] =	vst v63  }
0xd: {  	p0 =	sne.s32 s10, $0x1;
	_ =	swait.ge [sflag:s8], $0x1000  }
.Ltmp0:
0xe: {  	[sflag:s8] =	ssyncset.done $0x0;
	(pc) =	sbr.rel @!p0 .LBB2_2-.Ltmp0, $4  }
0xf: {  	s9 =	sadd.s32 $0x600, s9;
	[sflag:s8] =	ssyncadd.s32 $0xFFFFF000  }
0x10: {  	[hbm4b:s9+s3] =	stream.linear.scatter [tilespmem:s7], [sflag:$0x2], $0x1000, $0x38;
	[tilespmem:$0x1080] =	vst v63  }
0x11: {  	_ =	swait.ge [sflag:s4], $0x1000  }
0x12: {  	s10 =	sadd.s32 $0xFFFFFFFF, s10;
	[sflag:s4] =	ssyncset.done $0x0  }
.LBB2_1:
0x13: {  	p0 =	sne.s32 s10, $0x1;
	s10 =	sadd.s32 $0xFFFFFFFF, s10;
	[sflag:s4] =	ssyncadd.s32 $0xFFFFF000  }
0x14: {  	[tilespmem:s3], [sflag:$0x2] =	stream.linear.gather [hbm4b:s5+s3], $0x20, $0x38;
	[tilespmem:$0x1080] =	vst v63  }
0x15: {  	_ =	swait.ge [sflag:s4], $0x20  }
0x16: {  	[sflag:s4] =	ssyncset.done $0x0  }
0x17: {  	[sflag:s4] =	ssyncadd.s32 $0xFFFFFFE0  }
0x18: {  	[tilespmem:s7], [sflag:$0x1] =	stream.indirect.gather [hbm4b:s2+s6], $0x80, s3, s6, $0xb8;
	[tilespmem:$0x1080] =	vst v63  }
0x19: {  	_ =	swait.ge [sflag:s8], $0x1000  }
.Ltmp1:
0x1a: {  	[sflag:s8] =	ssyncset.done $0x0;
	(pc) =	sbr.rel @p0 .LBB2_1-.Ltmp1, $4  }
0x1b: {  	[sflag:s8] =	ssyncadd.s32 $0xFFFFF000  }
0x1c: {  	[hbm4b:s9+s3] =	stream.linear.scatter [tilespmem:s7], [sflag:$0x2], $0x1000, $0x38;
	[tilespmem:$0x1080] =	vst v63  }
0x1d: {  	_ =	swait.ge [sflag:s4], $0x1000  }
0x1e: {  	[sflag:s4] =	ssyncset.done $0x0  }
.LBB2_2:
0x1f: {  	[sflag:s4] =	ssyncadd.s32 $0xFFFFF000  }
0x20: {  	_ =	sfence.sel $0x180000  }
0x21: {  	[bflag:$0x0] =	sbarrier.arrive $0xFFFF  }
0x22: {  	p0 =	sne.s32 s0, $0x0;
	_ =	strace $0x90000047  }
0x23: {  	s0 =	sadd.s32 @!p0 $0x100000, s1;
	[bflag:$0x2] =	sbarrier.arrive $0xFFFF  }
0x24: {  	[sflag:s0] =	ssyncadd.tile.s32 @!p0 $0x1;
	_ =	shalt  }
.Lfunc_end2:
_tile_overlayer_lowered:
.L_overlay_start_2:
0x25: {  	(tag) =	ssettag $0x2  }
0x26: {  	s0 =	rddreg [dreg:$0x0];
	s2 =	stileid.u32  }
0x27: {  	s1 =	rddreg [dreg:$0x1];
	p0 =	sne.s32 s2, $0x0  }
0x28: {  	s3 =	rddreg [dreg:$0x2];
	[bflag:$0x3] =	sbarrier.arrive $0xFFFF;
	s2 =	simm.s32 @!p0 $0x1C02  }
0x29: {  	[timem:s3], [sflag:s2] =	dma.local @!p0 [hbm:s0], s1  }
0x2a: {  	s0 =	simm.s32 @!p0 $0x2  }
0x2b: {  	_ =	swait.ge @!p0 [sflag:s0], s1  }
0x2c: {  	s1 =	ssub.s32 @!p0 $0x0, s1;
	[sflag:s0] =	ssyncset.done @!p0 $0x0  }
0x2d: {  	[sflag:s0] =	ssyncadd.s32 @!p0 s1  }
0x2e: {  	[bflag:$0x3] =	sbarrier.arrive $0xFFFF  }
0x2f: {  	_ =	shalt  }

</sc_bundles>
